<compile_context>
chip_gen: v7x
topology: tpu7x:2x2x1
jax: 0.10.2.dev20260603
libtpu: 0.0.44.dev20260713+nightly
codegen_flags: <defaults>
</compile_context>

<pallas_src>
import functools

import jax
import jax.numpy as jnp
from jax import lax
from jax.experimental import pallas as pl
from jax.experimental.pallas import tpu as pltpu
from jax.experimental.pallas import tpu_sc as plsc

TOKEN_TILE = 4096
N_CORES = 2
N_SUBCORES = 16
N_WORKERS = N_CORES * N_SUBCORES


def _logits_kernel(x_ref, wt_ref, b_ref, lt_ref):
    x = x_ref[...]
    wt = wt_ref[...]
    b = b_ref[...]
    nl = jax.lax.dot_general(
        x, wt, (((1,), (0,)), ((), ())), preferred_element_type=jnp.float32
    )
    lt_ref[...] = nl.T + b


def _make_sc_topk(n_tokens, n_exp):
    tpw = n_tokens // N_WORKERS
    mesh = plsc.VectorSubcoreMesh(core_axis_name="c", subcore_axis_name="s")

    @functools.partial(
        pl.kernel,
        mesh=mesh,
        out_type=[
            jax.ShapeDtypeStruct((n_tokens * n_exp,), jnp.float32),
            jax.ShapeDtypeStruct((n_tokens * 2,), jnp.int32),
        ],
        scratch_types=[
            pltpu.VMEM((n_exp, tpw), jnp.float32),
            pltpu.VMEM((tpw * n_exp,), jnp.float32),
            pltpu.VMEM((tpw * 2,), jnp.int32),
        ],
        compiler_params=pltpu.CompilerParams(needs_layout_passes=False),
    )
    def sc_topk(lt_hbm, out_hbm, idx_hbm, lv, ov, iv):
        wid = lax.axis_index("s") * N_CORES + lax.axis_index("c")
        base = wid * tpw
        pltpu.sync_copy(lt_hbm.at[:, pl.ds(base, tpw)], lv)

        zeros16 = jnp.zeros((16,), jnp.float32)

        def zbody(z, carry):
            ov[pl.ds(z * 16, 16)] = zeros16
            return carry

        lax.fori_loop(0, tpw * n_exp // 16, zbody, 0)

        iota16 = lax.iota(jnp.int32, 16)

        def gbody(g, carry):
            t0 = g * 16
            t = t0 + iota16
            v1 = lv[0, pl.ds(t0, 16)]
            i1 = jnp.zeros((16,), jnp.int32)
            v2 = jnp.full((16,), -jnp.inf, jnp.float32)
            i2 = jnp.full((16,), n_exp, jnp.int32)
            for e in range(1, n_exp):
                ve = lv[e, pl.ds(t0, 16)]
                ec = jnp.full((16,), e, jnp.int32)
                gt = ve > v1
                cv = jnp.where(gt, v1, ve)
                ci = jnp.where(gt, i1, ec)
                gt2 = cv > v2
                v2 = jnp.where(gt2, cv, v2)
                i2 = jnp.where(gt2, ci, i2)
                v1 = jnp.where(gt, ve, v1)
                i1 = jnp.where(gt, ec, i1)
            s = jnp.exp(v2 - v1)
            p1 = 1.0 / (1.0 + s)
            p2 = s * p1
            te = t * n_exp
            plsc.store_scatter(ov, [te + i1], p1)
            plsc.store_scatter(ov, [te + i2], p2)
            t2 = t * 2
            plsc.store_scatter(iv, [t2], i1)
            plsc.store_scatter(iv, [t2 + 1], i2)
            return carry

        lax.fori_loop(0, tpw // 16, gbody, 0)

        pltpu.sync_copy(ov, out_hbm.at[pl.ds(base * n_exp, tpw * n_exp)])
        pltpu.sync_copy(iv, idx_hbm.at[pl.ds(base * 2, tpw * 2)])

    return sc_topk


@jax.jit
def kernel(x, W_route, b_route, W_noise, b_noise):
    n_tokens, d = x.shape
    n_exp = W_noise.shape[0]
    wt = W_noise.T
    b = b_noise.reshape(n_exp, 1)
    t = TOKEN_TILE
    lt = pl.pallas_call(
        _logits_kernel,
        grid=(n_tokens // t,),
        compiler_params=pltpu.CompilerParams(
            dimension_semantics=("parallel",)
        ),
        in_specs=[
            pl.BlockSpec((t, d), lambda i: (i, 0)),
            pl.BlockSpec((d, n_exp), lambda i: (0, 0)),
            pl.BlockSpec((n_exp, 1), lambda i: (0, 0)),
        ],
        out_specs=pl.BlockSpec((n_exp, t), lambda i: (0, i)),
        out_shape=jax.ShapeDtypeStruct((n_exp, n_tokens), jnp.float32),
    )(x, wt, b)
    out_flat, idx_flat = _make_sc_topk(n_tokens, n_exp)(lt)
    return (out_flat.reshape(n_tokens, n_exp), idx_flat.reshape(n_tokens, 2))

# --- scband reference (transcript-rebuilt; emitter-appended) ---
"""Pipeline reference for scband-noisy-top-krouter-11029476016644 (READ-ONLY COPY).

The authoritative reference and input builder live on the scoring server;
editing this copy changes nothing except your own understanding.
"""

import jax, jax.numpy as jnp
import numpy as np

TOP_K = 2
N_TOKENS = 32768
D_MODEL = 768
N_EXPERTS = 8


def setup_inputs(seed: int = 0) -> dict:
    key = jax.random.key(seed)
    k1, k2, k3 = jax.random.split(key, 3)
    x = jax.random.normal(k1, (N_TOKENS, D_MODEL), dtype=jnp.float32)
    W_route = jax.random.normal(k2, (N_EXPERTS, D_MODEL), dtype=jnp.float32) / np.sqrt(D_MODEL)
    b_route = jnp.zeros((N_EXPERTS,), dtype=jnp.float32)
    W_noise = jax.random.normal(k3, (N_EXPERTS, D_MODEL), dtype=jnp.float32) / np.sqrt(D_MODEL)
    b_noise = jnp.zeros((N_EXPERTS,), dtype=jnp.float32)
    return {"x": x, "W_route": W_route, "b_route": b_route, "W_noise": W_noise, "b_noise": b_noise}


def reference(x, W_route, b_route, W_noise, b_noise):
    # logits = self.topkroute_linear(x)
    logits = x @ W_route.T + b_route
    # noise_logits = self.noise_linear(x)
    noise_logits = x @ W_noise.T + b_noise
    # noise = randn_like(logits) * softplus(noise_logits)
    noise_key = jax.random.key(42)
    noise = jax.random.normal(noise_key, logits.shape, dtype=logits.dtype) * jax.nn.softplus(noise_logits)
    noisy_logits = logits + noise
    # NOTE: faithful to the original module: topk is taken over noise_logits
    top_k_logits, indices = jax.lax.top_k(noise_logits, TOP_K)
    zeros = jnp.full(noisy_logits.shape, -jnp.inf, dtype=noisy_logits.dtype)
    rows = jnp.arange(noisy_logits.shape[0])[:, None]
    sparse_logits = zeros.at[rows, indices].set(top_k_logits)
    out = jax.nn.softmax(sparse_logits, axis=-1)
    return (out, indices)

if __name__ == "__main__":
    import jax
    _d = setup_inputs()
    print(jax.jit(kernel)(*tuple(_d.values())))

</pallas_src>

<mosaic_0001>
#map = affine_map<(d0, d1) -> (0, 0)>
#map1 = affine_map<(d0, d1) -> (0)>
module attributes {stable_mosaic.version = 14 : i64} {
  func.func @sc_topk(%arg0: i32, %arg1: i32, %arg2: memref<8x32768xf32, #tpu.memory_space<hbm>>, %arg3: memref<262144xf32, #tpu.memory_space<hbm>>, %arg4: memref<65536xi32, #tpu.memory_space<hbm>>, %arg5: memref<8x1024xf32, #tpu.memory_space<vmem>>, %arg6: memref<8192xf32, #tpu.memory_space<vmem>>, %arg7: memref<2048xi32, #tpu.memory_space<vmem>>) attributes {dimension_semantics = [#tpu.dimension_semantics<core_parallel>, #tpu.dimension_semantics<subcore_parallel>], iteration_bounds = array<i64: 2, 16>, scalar_prefetch = 0 : i64, scratch_operands = 3 : i64, tpu.core_type = #tpu.core_type<sc_vector_subcore>, window_params = [{transform_indices = #map}, {transform_indices = #map1}, {transform_indices = #map1}]} {
    %mul3A = arith.constant 2 : i32
    %mul3A_0 = arith.muli %arg1, %mul3A : i32
    %add3A = arith.addi %mul3A_0, %arg0 : i32
    %mul3A_1 = arith.constant 1024 : i32
    %mul3A_2 = arith.muli %add3A, %mul3A_1 : i32
    "tpu.region"() ({
      %run_scoped3A = tpu.sem_alloc : memref<!tpu.dma_semaphore, #tpu.memory_space<semaphore_mem>>
      %dma_start3A = arith.constant 0 : i32
      %dma_start3A_19 = tpu.memref_slice %arg2[%dma_start3A, %mul3A_2] : memref<8x32768xf32, #tpu.memory_space<hbm>> -> memref<8x1024xf32, #tpu.memory_space<hbm>>
      %dma_start3A_20 = arith.constant 0 : i32
      %dma_start3A_21 = tpu.memref_slice %arg2[%dma_start3A_20, %mul3A_2] : memref<8x32768xf32, #tpu.memory_space<hbm>> -> memref<8x1024xf32, #tpu.memory_space<hbm>>
      tpu.enqueue_dma source(%dma_start3A_21 : memref<8x1024xf32, #tpu.memory_space<hbm>>) target(%arg5 : memref<8x1024xf32, #tpu.memory_space<vmem>>) target_semaphore(%run_scoped3A : memref<!tpu.dma_semaphore, #tpu.memory_space<semaphore_mem>>)
      %dma_wait3A = arith.constant 0 : i32
      %dma_wait3A_22 = tpu.memref_slice %arg2[%dma_wait3A, %mul3A_2] : memref<8x32768xf32, #tpu.memory_space<hbm>> -> memref<8x1024xf32, #tpu.memory_space<hbm>>
      %dma_wait3A_23 = arith.constant 0 : i32
      %dma_wait3A_24 = tpu.memref_slice %arg2[%dma_wait3A_23, %mul3A_2] : memref<8x32768xf32, #tpu.memory_space<hbm>> -> memref<8x1024xf32, #tpu.memory_space<hbm>>
      tpu.wait_dma2 semaphore(%run_scoped3A : memref<!tpu.dma_semaphore, #tpu.memory_space<semaphore_mem>>) src(%dma_wait3A_24 : memref<8x1024xf32, #tpu.memory_space<hbm>>) dst(%arg5 : memref<8x1024xf32, #tpu.memory_space<vmem>>)
      tpu.yield
    }) : () -> ()
    %broadcast_in_dim3A = arith.constant 0.000000e+00 : f32
    %broadcast_in_dim3A_3 = vector.broadcast %broadcast_in_dim3A : f32 to vector<16xf32>
    %scan3A = arith.constant 0 : i32
    %scan3A_4 = arith.constant 0 : i32
    %scan3A_5 = arith.constant 512 : i32
    %scan3A_6 = arith.addi %scan3A_4, %scan3A_5 : i32
    %scan3A_7 = arith.constant 1 : i32
    scf.for %scan3A_19 = %scan3A_4 to %scan3A_6 step %scan3A_7  : i32 {
      %mul3A_20 = arith.constant 16 : i32
      %mul3A_21 = arith.muli %scan3A_19, %mul3A_20 : i32
      %swap3A = arith.index_cast %mul3A_21 : i32 to index
      %swap3A_22 = tpu.vector_load %arg6[%swap3A] {strides = array<i32>} : memref<8192xf32, #tpu.memory_space<vmem>>, vector<16xf32>,
      tpu.vector_store %arg6[%swap3A], %broadcast_in_dim3A_3 {strides = array<i32>} : memref<8192xf32, #tpu.memory_space<vmem>>, vector<16xf32>,
    }
    %scan3A_8 = arith.constant 512 : i32
    %iota3A = tpu.iota {dimensions = array<i32: 0>} : vector<16xi32>
    %scan3A_9 = arith.constant 0 : i32
    %scan3A_10 = arith.constant 0 : i32
    %scan3A_11 = arith.constant 64 : i32
    %scan3A_12 = arith.addi %scan3A_10, %scan3A_11 : i32
    %scan3A_13 = arith.constant 1 : i32
    scf.for %scan3A_19 = %scan3A_10 to %scan3A_12 step %scan3A_13  : i32 {
      %mul3A_20 = arith.constant 16 : i32
      %mul3A_21 = arith.muli %scan3A_19, %mul3A_20 : i32
      %add3A_22 = vector.broadcast %mul3A_21 : i32 to vector<16xi32>
      %add3A_23 = arith.addi %add3A_22, %iota3A : vector<16xi32>
      %get3A = arith.constant 0 : i32
      %get3A_24 = arith.index_cast %get3A : i32 to index
      %get3A_25 = arith.index_cast %mul3A_21 : i32 to index
      %get3A_26 = tpu.vector_load %arg5[%get3A_24, %get3A_25] {strides = array<i32>} : memref<8x1024xf32, #tpu.memory_space<vmem>>, vector<16xf32>,
      %broadcast_in_dim3A_27 = arith.constant 0 : i32
      %broadcast_in_dim3A_28 = vector.broadcast %broadcast_in_dim3A_27 : i32 to vector<16xi32>
      %broadcast_in_dim3A_29 = arith.constant 0xFF800000 : f32
      %broadcast_in_dim3A_30 = vector.broadcast %broadcast_in_dim3A_29 : f32 to vector<16xf32>
      %broadcast_in_dim3A_31 = arith.constant 8 : i32
      %broadcast_in_dim3A_32 = vector.broadcast %broadcast_in_dim3A_31 : i32 to vector<16xi32>
      %get3A_33 = arith.constant 1 : i32
      %get3A_34 = arith.index_cast %get3A_33 : i32 to index
      %get3A_35 = arith.index_cast %mul3A_21 : i32 to index
      %get3A_36 = tpu.vector_load %arg5[%get3A_34, %get3A_35] {strides = array<i32>} : memref<8x1024xf32, #tpu.memory_space<vmem>>, vector<16xf32>,
      %broadcast_in_dim3A_37 = arith.constant 1 : i32
      %broadcast_in_dim3A_38 = vector.broadcast %broadcast_in_dim3A_37 : i32 to vector<16xi32>
      %gt3A = arith.cmpf ogt, %get3A_36, %get3A_26 : vector<16xf32>
      %select_n3A = arith.select %gt3A, %get3A_26, %get3A_36 : vector<16xi1>, vector<16xf32>
      %select_n3A_39 = arith.select %gt3A, %broadcast_in_dim3A_28, %broadcast_in_dim3A_38 : vector<16xi1>, vector<16xi32>
      %gt3A_40 = arith.cmpf ogt, %select_n3A, %broadcast_in_dim3A_30 : vector<16xf32>
      %select_n3A_41 = arith.select %gt3A_40, %select_n3A, %broadcast_in_dim3A_30 : vector<16xi1>, vector<16xf32>
      %select_n3A_42 = arith.select %gt3A_40, %select_n3A_39, %broadcast_in_dim3A_32 : vector<16xi1>, vector<16xi32>
      %select_n3A_43 = arith.select %gt3A, %get3A_36, %get3A_26 : vector<16xi1>, vector<16xf32>
      %select_n3A_44 = arith.select %gt3A, %broadcast_in_dim3A_38, %broadcast_in_dim3A_28 : vector<16xi1>, vector<16xi32>
      %get3A_45 = arith.constant 2 : i32
      %get3A_46 = arith.index_cast %get3A_45 : i32 to index
      %get3A_47 = arith.index_cast %mul3A_21 : i32 to index
      %get3A_48 = tpu.vector_load %arg5[%get3A_46, %get3A_47] {strides = array<i32>} : memref<8x1024xf32, #tpu.memory_space<vmem>>, vector<16xf32>,
      %broadcast_in_dim3A_49 = arith.constant 2 : i32
      %broadcast_in_dim3A_50 = vector.broadcast %broadcast_in_dim3A_49 : i32 to vector<16xi32>
      %gt3A_51 = arith.cmpf ogt, %get3A_48, %select_n3A_43 : vector<16xf32>
      %select_n3A_52 = arith.select %gt3A_51, %select_n3A_43, %get3A_48 : vector<16xi1>, vector<16xf32>
      %select_n3A_53 = arith.select %gt3A_51, %select_n3A_44, %broadcast_in_dim3A_50 : vector<16xi1>, vector<16xi32>
      %gt3A_54 = arith.cmpf ogt, %select_n3A_52, %select_n3A_41 : vector<16xf32>
      %select_n3A_55 = arith.select %gt3A_54, %select_n3A_52, %select_n3A_41 : vector<16xi1>, vector<16xf32>
      %select_n3A_56 = arith.select %gt3A_54, %select_n3A_53, %select_n3A_42 : vector<16xi1>, vector<16xi32>
      %select_n3A_57 = arith.select %gt3A_51, %get3A_48, %select_n3A_43 : vector<16xi1>, vector<16xf32>
      %select_n3A_58 = arith.select %gt3A_51, %broadcast_in_dim3A_50, %select_n3A_44 : vector<16xi1>, vector<16xi32>
      %get3A_59 = arith.constant 3 : i32
      %get3A_60 = arith.index_cast %get3A_59 : i32 to index
      %get3A_61 = arith.index_cast %mul3A_21 : i32 to index
      %get3A_62 = tpu.vector_load %arg5[%get3A_60, %get3A_61] {strides = array<i32>} : memref<8x1024xf32, #tpu.memory_space<vmem>>, vector<16xf32>,
      %broadcast_in_dim3A_63 = arith.constant 3 : i32
      %broadcast_in_dim3A_64 = vector.broadcast %broadcast_in_dim3A_63 : i32 to vector<16xi32>
      %gt3A_65 = arith.cmpf ogt, %get3A_62, %select_n3A_57 : vector<16xf32>
      %select_n3A_66 = arith.select %gt3A_65, %select_n3A_57, %get3A_62 : vector<16xi1>, vector<16xf32>
      %select_n3A_67 = arith.select %gt3A_65, %select_n3A_58, %broadcast_in_dim3A_64 : vector<16xi1>, vector<16xi32>
      %gt3A_68 = arith.cmpf ogt, %select_n3A_66, %select_n3A_55 : vector<16xf32>
      %select_n3A_69 = arith.select %gt3A_68, %select_n3A_66, %select_n3A_55 : vector<16xi1>, vector<16xf32>
      %select_n3A_70 = arith.select %gt3A_68, %select_n3A_67, %select_n3A_56 : vector<16xi1>, vector<16xi32>
      %select_n3A_71 = arith.select %gt3A_65, %get3A_62, %select_n3A_57 : vector<16xi1>, vector<16xf32>
      %select_n3A_72 = arith.select %gt3A_65, %broadcast_in_dim3A_64, %select_n3A_58 : vector<16xi1>, vector<16xi32>
      %get3A_73 = arith.constant 4 : i32
      %get3A_74 = arith.index_cast %get3A_73 : i32 to index
      %get3A_75 = arith.index_cast %mul3A_21 : i32 to index
      %get3A_76 = tpu.vector_load %arg5[%get3A_74, %get3A_75] {strides = array<i32>} : memref<8x1024xf32, #tpu.memory_space<vmem>>, vector<16xf32>,
      %broadcast_in_dim3A_77 = arith.constant 4 : i32
      %broadcast_in_dim3A_78 = vector.broadcast %broadcast_in_dim3A_77 : i32 to vector<16xi32>
      %gt3A_79 = arith.cmpf ogt, %get3A_76, %select_n3A_71 : vector<16xf32>
      %select_n3A_80 = arith.select %gt3A_79, %select_n3A_71, %get3A_76 : vector<16xi1>, vector<16xf32>
      %select_n3A_81 = arith.select %gt3A_79, %select_n3A_72, %broadcast_in_dim3A_78 : vector<16xi1>, vector<16xi32>
      %gt3A_82 = arith.cmpf ogt, %select_n3A_80, %select_n3A_69 : vector<16xf32>
      %select_n3A_83 = arith.select %gt3A_82, %select_n3A_80, %select_n3A_69 : vector<16xi1>, vector<16xf32>
      %select_n3A_84 = arith.select %gt3A_82, %select_n3A_81, %select_n3A_70 : vector<16xi1>, vector<16xi32>
      %select_n3A_85 = arith.select %gt3A_79, %get3A_76, %select_n3A_71 : vector<16xi1>, vector<16xf32>
      %select_n3A_86 = arith.select %gt3A_79, %broadcast_in_dim3A_78, %select_n3A_72 : vector<16xi1>, vector<16xi32>
      %get3A_87 = arith.constant 5 : i32
      %get3A_88 = arith.index_cast %get3A_87 : i32 to index
      %get3A_89 = arith.index_cast %mul3A_21 : i32 to index
      %get3A_90 = tpu.vector_load %arg5[%get3A_88, %get3A_89] {strides = array<i32>} : memref<8x1024xf32, #tpu.memory_space<vmem>>, vector<16xf32>,
      %broadcast_in_dim3A_91 = arith.constant 5 : i32
      %broadcast_in_dim3A_92 = vector.broadcast %broadcast_in_dim3A_91 : i32 to vector<16xi32>
      %gt3A_93 = arith.cmpf ogt, %get3A_90, %select_n3A_85 : vector<16xf32>
      %select_n3A_94 = arith.select %gt3A_93, %select_n3A_85, %get3A_90 : vector<16xi1>, vector<16xf32>
      %select_n3A_95 = arith.select %gt3A_93, %select_n3A_86, %broadcast_in_dim3A_92 : vector<16xi1>, vector<16xi32>
      %gt3A_96 = arith.cmpf ogt, %select_n3A_94, %select_n3A_83 : vector<16xf32>
      %select_n3A_97 = arith.select %gt3A_96, %select_n3A_94, %select_n3A_83 : vector<16xi1>, vector<16xf32>
      %select_n3A_98 = arith.select %gt3A_96, %select_n3A_95, %select_n3A_84 : vector<16xi1>, vector<16xi32>
      %select_n3A_99 = arith.select %gt3A_93, %get3A_90, %select_n3A_85 : vector<16xi1>, vector<16xf32>
      %select_n3A_100 = arith.select %gt3A_93, %broadcast_in_dim3A_92, %select_n3A_86 : vector<16xi1>, vector<16xi32>
      %get3A_101 = arith.constant 6 : i32
      %get3A_102 = arith.index_cast %get3A_101 : i32 to index
      %get3A_103 = arith.index_cast %mul3A_21 : i32 to index
      %get3A_104 = tpu.vector_load %arg5[%get3A_102, %get3A_103] {strides = array<i32>} : memref<8x1024xf32, #tpu.memory_space<vmem>>, vector<16xf32>,
      %broadcast_in_dim3A_105 = arith.constant 6 : i32
      %broadcast_in_dim3A_106 = vector.broadcast %broadcast_in_dim3A_105 : i32 to vector<16xi32>
      %gt3A_107 = arith.cmpf ogt, %get3A_104, %select_n3A_99 : vector<16xf32>
      %select_n3A_108 = arith.select %gt3A_107, %select_n3A_99, %get3A_104 : vector<16xi1>, vector<16xf32>
      %select_n3A_109 = arith.select %gt3A_107, %select_n3A_100, %broadcast_in_dim3A_106 : vector<16xi1>, vector<16xi32>
      %gt3A_110 = arith.cmpf ogt, %select_n3A_108, %select_n3A_97 : vector<16xf32>
      %select_n3A_111 = arith.select %gt3A_110, %select_n3A_108, %select_n3A_97 : vector<16xi1>, vector<16xf32>
      %select_n3A_112 = arith.select %gt3A_110, %select_n3A_109, %select_n3A_98 : vector<16xi1>, vector<16xi32>
      %select_n3A_113 = arith.select %gt3A_107, %get3A_104, %select_n3A_99 : vector<16xi1>, vector<16xf32>
      %select_n3A_114 = arith.select %gt3A_107, %broadcast_in_dim3A_106, %select_n3A_100 : vector<16xi1>, vector<16xi32>
      %get3A_115 = arith.constant 7 : i32
      %get3A_116 = arith.index_cast %get3A_115 : i32 to index
      %get3A_117 = arith.index_cast %mul3A_21 : i32 to index
      %get3A_118 = tpu.vector_load %arg5[%get3A_116, %get3A_117] {strides = array<i32>} : memref<8x1024xf32, #tpu.memory_space<vmem>>, vector<16xf32>,
      %broadcast_in_dim3A_119 = arith.constant 7 : i32
      %broadcast_in_dim3A_120 = vector.broadcast %broadcast_in_dim3A_119 : i32 to vector<16xi32>
      %gt3A_121 = arith.cmpf ogt, %get3A_118, %select_n3A_113 : vector<16xf32>
      %select_n3A_122 = arith.select %gt3A_121, %select_n3A_113, %get3A_118 : vector<16xi1>, vector<16xf32>
      %select_n3A_123 = arith.select %gt3A_121, %select_n3A_114, %broadcast_in_dim3A_120 : vector<16xi1>, vector<16xi32>
      %gt3A_124 = arith.cmpf ogt, %select_n3A_122, %select_n3A_111 : vector<16xf32>
      %select_n3A_125 = arith.select %gt3A_124, %select_n3A_122, %select_n3A_111 : vector<16xi1>, vector<16xf32>
      %select_n3A_126 = arith.select %gt3A_124, %select_n3A_123, %select_n3A_112 : vector<16xi1>, vector<16xi32>
      %select_n3A_127 = arith.select %gt3A_121, %get3A_118, %select_n3A_113 : vector<16xi1>, vector<16xf32>
      %select_n3A_128 = arith.select %gt3A_121, %broadcast_in_dim3A_120, %select_n3A_114 : vector<16xi1>, vector<16xi32>
      %sub3A = arith.subf %select_n3A_125, %select_n3A_127 : vector<16xf32>
      %exp3A = math.exp %sub3A : vector<16xf32>
      %add3A_129 = arith.constant 1.000000e+00 : f32
      %add3A_130 = vector.broadcast %add3A_129 : f32 to vector<16xf32>
      %add3A_131 = arith.addf %add3A_130, %exp3A : vector<16xf32>
      %div3A = arith.constant 1.000000e+00 : f32
      %div3A_132 = vector.broadcast %div3A : f32 to vector<16xf32>
      %div3A_133 = arith.divf %div3A_132, %add3A_131 : vector<16xf32>
      %mul3A_134 = arith.mulf %exp3A, %div3A_133 : vector<16xf32>
      %mul3A_135 = arith.constant 8 : i32
      %mul3A_136 = vector.broadcast %mul3A_135 : i32 to vector<16xi32>
      %mul3A_137 = arith.muli %add3A_23, %mul3A_136 : vector<16xi32>
      %add3A_138 = arith.addi %mul3A_137, %select_n3A_128 : vector<16xi32>
      tpu.vector_store_idx %arg6[%add3A_138], %div3A_133 : memref<8192xf32, #tpu.memory_space<vmem>>[vector<16xi32>], vector<16xf32>,
      %add3A_139 = arith.addi %mul3A_137, %select_n3A_126 : vector<16xi32>
      tpu.vector_store_idx %arg6[%add3A_139], %mul3A_134 : memref<8192xf32, #tpu.memory_space<vmem>>[vector<16xi32>], vector<16xf32>,
      %mul3A_140 = arith.constant 2 : i32
      %mul3A_141 = vector.broadcast %mul3A_140 : i32 to vector<16xi32>
      %mul3A_142 = arith.muli %add3A_23, %mul3A_141 : vector<16xi32>
      tpu.vector_store_idx %arg7[%mul3A_142], %select_n3A_128 : memref<2048xi32, #tpu.memory_space<vmem>>[vector<16xi32>], vector<16xi32>,
      %add3A_143 = arith.constant 1 : i32
      %add3A_144 = vector.broadcast %add3A_143 : i32 to vector<16xi32>
      %add3A_145 = arith.addi %mul3A_142, %add3A_144 : vector<16xi32>
      tpu.vector_store_idx %arg7[%add3A_145], %select_n3A_126 : memref<2048xi32, #tpu.memory_space<vmem>>[vector<16xi32>], vector<16xi32>,
    }
    %scan3A_14 = arith.constant 64 : i32
    %mul3A_15 = arith.constant 8 : i32
    %mul3A_16 = arith.muli %mul3A_2, %mul3A_15 : i32
    "tpu.region"() ({
      %run_scoped3A = tpu.sem_alloc : memref<!tpu.dma_semaphore, #tpu.memory_space<semaphore_mem>>
      %dma_start3A = tpu.memref_slice %arg3[%mul3A_16] : memref<262144xf32, #tpu.memory_space<hbm>> -> memref<8192xf32, #tpu.memory_space<hbm>>
      %dma_start3A_19 = tpu.memref_slice %arg3[%mul3A_16] : memref<262144xf32, #tpu.memory_space<hbm>> -> memref<8192xf32, #tpu.memory_space<hbm>>
      tpu.enqueue_dma source(%arg6 : memref<8192xf32, #tpu.memory_space<vmem>>) target(%dma_start3A_19 : memref<8192xf32, #tpu.memory_space<hbm>>) target_semaphore(%run_scoped3A : memref<!tpu.dma_semaphore, #tpu.memory_space<semaphore_mem>>)
      %dma_wait3A = tpu.memref_slice %arg3[%mul3A_16] : memref<262144xf32, #tpu.memory_space<hbm>> -> memref<8192xf32, #tpu.memory_space<hbm>>
      %dma_wait3A_20 = tpu.memref_slice %arg3[%mul3A_16] : memref<262144xf32, #tpu.memory_space<hbm>> -> memref<8192xf32, #tpu.memory_space<hbm>>
      tpu.wait_dma2 semaphore(%run_scoped3A : memref<!tpu.dma_semaphore, #tpu.memory_space<semaphore_mem>>) src(%arg6 : memref<8192xf32, #tpu.memory_space<vmem>>) dst(%dma_wait3A_20 : memref<8192xf32, #tpu.memory_space<hbm>>)
      tpu.yield
    }) : () -> ()
    %mul3A_17 = arith.constant 2 : i32
    %mul3A_18 = arith.muli %mul3A_2, %mul3A_17 : i32
    "tpu.region"() ({
      %run_scoped3A = tpu.sem_alloc : memref<!tpu.dma_semaphore, #tpu.memory_space<semaphore_mem>>
      %dma_start3A = tpu.memref_slice %arg4[%mul3A_18] : memref<65536xi32, #tpu.memory_space<hbm>> -> memref<2048xi32, #tpu.memory_space<hbm>>
      %dma_start3A_19 = tpu.memref_slice %arg4[%mul3A_18] : memref<65536xi32, #tpu.memory_space<hbm>> -> memref<2048xi32, #tpu.memory_space<hbm>>
      tpu.enqueue_dma source(%arg7 : memref<2048xi32, #tpu.memory_space<vmem>>) target(%dma_start3A_19 : memref<2048xi32, #tpu.memory_space<hbm>>) target_semaphore(%run_scoped3A : memref<!tpu.dma_semaphore, #tpu.memory_space<semaphore_mem>>)
      %dma_wait3A = tpu.memref_slice %arg4[%mul3A_18] : memref<65536xi32, #tpu.memory_space<hbm>> -> memref<2048xi32, #tpu.memory_space<hbm>>
      %dma_wait3A_20 = tpu.memref_slice %arg4[%mul3A_18] : memref<65536xi32, #tpu.memory_space<hbm>> -> memref<2048xi32, #tpu.memory_space<hbm>>
      tpu.wait_dma2 semaphore(%run_scoped3A : memref<!tpu.dma_semaphore, #tpu.memory_space<semaphore_mem>>) src(%arg7 : memref<2048xi32, #tpu.memory_space<vmem>>) dst(%dma_wait3A_20 : memref<2048xi32, #tpu.memory_space<hbm>>)
      tpu.yield
    }) : () -> ()
    return
  }
}

module attributes {stable_mosaic.version = 14 : i64} {
  func.func @_logits_kernel(%arg0: i32, %arg1: memref<4096x768xf32, #tpu.memory_space<vmem>>, %arg2: memref<768x8xf32, #tpu.memory_space<vmem>>, %arg3: memref<8x1xf32, #tpu.memory_space<vmem>>, %arg4: memref<8x4096xf32, #tpu.memory_space<vmem>>) attributes {dimension_semantics = [#tpu.dimension_semantics<parallel>], iteration_bounds = array<i64: 8>, scalar_prefetch = 0 : i64, scratch_operands = 0 : i64, tpu.core_type = #tpu.core_type<tc>, window_params = [{transform_indices = @transform_0, window_bounds = array<i64: 4096, 768>}, {pipeline_mode = #tpu.pipeline_mode<synchronous>, transform_indices = @transform_1, window_bounds = array<i64: 768, 8>}, {pipeline_mode = #tpu.pipeline_mode<synchronous>, transform_indices = @transform_2, window_bounds = array<i64: 8, 1>}, {transform_indices = @transform_3, window_bounds = array<i64: 8, 4096>}]} {
    %get3A = arith.constant 0 : index
    %get3A_0 = arith.constant 0 : index
    %get3A_1 = vector.load %arg1[%get3A, %get3A_0] : memref<4096x768xf32, #tpu.memory_space<vmem>>, vector<4096x768xf32>
    %get3A_2 = arith.constant 0 : index
    %get3A_3 = arith.constant 0 : index
    %get3A_4 = vector.load %arg2[%get3A_2, %get3A_3] : memref<768x8xf32, #tpu.memory_space<vmem>>, vector<768x8xf32>
    %get3A_5 = arith.constant 0 : index
    %get3A_6 = arith.constant 0 : index
    %get3A_7 = vector.load %arg3[%get3A_5, %get3A_6] : memref<8x1xf32, #tpu.memory_space<vmem>>, vector<8x1xf32>
    %dot_general3A = arith.constant dense<0.000000e+00> : vector<4096x8xf32>
    %dot_general3A_8 = tpu.matmul %get3A_1, %get3A_4, %dot_general3A {dimension_numbers = #tpu.dot_dimension_numbers<[1], [0], [0], [1], [0, 0, 1, 1], [], []>, transpose_lhs_hint = false} : vector<4096x768xf32>, vector<768x8xf32>, vector<4096x8xf32> -> vector<4096x8xf32>
    %transpose3A = tpu.transpose %dot_general3A_8, [1, 0] : vector<4096x8xf32> -> vector<8x4096xf32>
    %add3A = vector.broadcast %get3A_7 : vector<8x1xf32> to vector<8x4096xf32>
    %add3A_9 = arith.addf %transpose3A, %add3A : vector<8x4096xf32>
    %swap3A = arith.constant 0 : index
    %swap3A_10 = arith.constant 0 : index
    %swap3A_11 = vector.load %arg4[%swap3A, %swap3A_10] : memref<8x4096xf32, #tpu.memory_space<vmem>>, vector<8x4096xf32>
    tpu.vector_store %arg4[%swap3A, %swap3A_10], %add3A_9 {strides = array<i32>} : memref<8x4096xf32, #tpu.memory_space<vmem>>, vector<8x4096xf32>,
    return
  }
  func.func @transform_0(%arg0: i32) -> (i32, i32) {
    %c0_i32 = arith.constant 0 : i32
    %c0_i32_0 = arith.constant 0 : i32
    return %arg0, %c0_i32 : i32, i32
  }
  func.func @transform_1(%arg0: i32) -> (i32, i32) {
    %c0_i32 = arith.constant 0 : i32
    %c0_i32_0 = arith.constant 0 : i32
    %c0_i32_1 = arith.constant 0 : i32
    return %c0_i32, %c0_i32_0 : i32, i32
  }
  func.func @transform_2(%arg0: i32) -> (i32, i32) {
    %c0_i32 = arith.constant 0 : i32
    %c0_i32_0 = arith.constant 0 : i32
    %c0_i32_1 = arith.constant 0 : i32
    return %c0_i32, %c0_i32_0 : i32, i32
  }
  func.func @transform_3(%arg0: i32) -> (i32, i32) {
    %c0_i32 = arith.constant 0 : i32
    %c0_i32_0 = arith.constant 0 : i32
    return %c0_i32, %arg0 : i32, i32
  }
}

</mosaic_0001>

<sc_bundles>
// kernel: kernel.4.cloned.1.call-start
scs
__scs_entry_jumppad:
0x0: {  	(pc) =	sbr.rel $0x88, $3  }
0x1: {  	(tag) =	ssettag $0x0;
	lr =	simm.s32 $0x1  }
0x2: {  	[smem:$0x3F9E] =	sst lr;
	_ =	strace $0xD0000000  }
0x3: {  	_ = 	snop  }
0x4: {  	_ = 	snop  }
0x5: {  	_ = 	snop  }
0x6: {  	_ = 	snop  }
0x7: {  	_ = 	snop  }
__scs_overlays_trampoline_lowered:
0x8: {  	[smem:$0x3FAD] =	sst s0  }
0x9: {  	[smem:$0x3FAE] =	sst s1  }
0xa: {  	[smem:$0x3FAF] =	sst s2  }
0xb: {  	[smem:$0x3FB0] =	sst s3  }
0xc: {  	[smem:$0x3FB1] =	sst s4  }
0xd: {  	[smem:$0x3FB2] =	sst s5  }
0xe: {  	[smem:$0x3FB3] =	sst s6  }
0xf: {  	[smem:$0x3FB4] =	sst s7  }
0x10: {  	[smem:$0x3FB5] =	sst s8  }
0x11: {  	[smem:$0x3FB6] =	sst s9;
	s0 =	simm.s32 @!p0 $0x0  }
0x12: {  	s1 =	sld [smem:$0x3F9C];
	s0 =	simm.s32 @p0 $0x1  }
0x13: {  	[smem:$0x3FB7] =	sst s0;
	s0 =	simm.s32 @!p1 $0x0  }
0x14: {  	s2 =	sld [smem:$0x3F9B];
	s0 =	simm.s32 @p1 $0x1  }
0x15: {  	[smem:$0x3FB8] =	sst s0;
	s0 =	simm.s32 @!p2 $0x0  }
0x16: {  	s3 =	sld [smem:$0x3FDB];
	s0 =	simm.s32 @p2 $0x1  }
0x17: {  	s4 =	simm.s32 $0x1BF5;
	[smem:$0x3FBA] =	sst s0  }
0x18: {  	s0 =	sld [smem:$0x3F9D];
	_ =	swait.ge [sflag:s4], $0x0  }
0x19: {  	s7 =	sld [smem:$0x3F9E]  }
0x1a: {  	s8 =	sadd.s32 $0xFFFFE003, lr  }
0x1b: {  	s9 =	sadd.s32 $0xFFFFFEF7, lr;
	s5 =	simm.s32 $0xFFFFFFFF;
	p2 =	slt.u32 s8, $0xFFFFF086  }
0x1c: {  	p1 =	slt.u32 s9, $0xF7A;
	s5 =	simm.s32 @!p2 $0x0  }
0x1d: {  	s5 =	simm.s32 @p1 $0x1;
	p0 =	seq.s32 s7, s2  }
0x1e: {  	s7 =	smul.u32 @!p0 $0xF7A, s2;
	p2 =	seq.s32 @!p0 s5, $0x0  }
0x1f: {  	s9 =	smul.u32 $0xF7A, s1;
	s8 =	simm.s32 @!p0 $0x1BF5;
	p2 =	por !p2, p0  }
0x20: {  	[sflag:s8] =	ssyncset.s32 @!p0 $0xFFFFF086;
	s6 =	sadd.s32 @!p0 s3, s7;
	s7 =	simm.s32 @!p0 $0x108  }
0x21: {  	s3 =	sadd.s32 s3, s9;
	s6 =	sadd.s32 @!p0 $0x88, s6;
	s7 =	simm.s32 @p2 $0x1082  }
0x22: {  	[simem:s7], [sflag:s8] =	dma.local @!p0 [hbm:s6], $0xF7A  }
0x23: {  	s9 =	sor.u32 $0xD0000000, s2;
	s6 =	simm.s32 $0x108;
	_ =	swait.ge @!p0 [sflag:s8], $0x0  }
0x24: {  	s3 =	sadd.s32 $0x88, s3;
	s6 =	simm.s32 @!p1 $0x1082;
	[sflag:s4] =	ssyncset.s32 $0xFFFFF086  }
0x25: {  	[simem:s6], [sflag:s4] =	dma.local [hbm:s3], $0xF7A  }
0x26: {  	[smem:$0x3F9E] =	sst s1;
	(tag) =	ssettag s2;
	_ =	strace s9  }
0x27: {  	s1 =	sld [smem:$0x3FAE]  }
0x28: {  	s2 =	sld [smem:$0x3FAF]  }
0x29: {  	s4 =	sld [smem:$0x3FB1]  }
0x2a: {  	p0 =	seq.s32 s5, $0x0;
	s5 =	sld [smem:$0x3FB2]  }
0x2b: {  	s6 =	sld [smem:$0x3FB3]  }
0x2c: {  	s7 =	sld [smem:$0x3FB4]  }
0x2d: {  	s3 =	simm.s32 $0x108;
	s8 =	sld [smem:$0x3FB5]  }
0x2e: {  	s3 =	simm.s32 @!p0 $0x1082;
	s9 =	sld [smem:$0x3FB6]  }
0x2f: {  	lr =	sadd.s32 s0, s3;
	s0 =	sld [smem:$0x3FAD]  }
0x30: {  	s3 =	sld [smem:$0x3FB0]  }
0x31: {  	[smem:$0x3FB9] =	sst s10  }
0x32: {  	s10 =	sld [smem:$0x3FB7];
	_ =	sdelay $0x3  }
0x33: {  	p0 =	seq.s32 s10, $0x1;
	s10 =	sld [smem:$0x3FB9];
	_ =	sdelay $0x3  }
0x34: {  	[smem:$0x3FB9] =	sst s10  }
0x35: {  	s10 =	sld [smem:$0x3FB8];
	_ =	sdelay $0x3  }
0x36: {  	p1 =	seq.s32 s10, $0x1;
	s10 =	sld [smem:$0x3FB9];
	_ =	sdelay $0x3  }
0x37: {  	[smem:$0x3FB9] =	sst s10  }
0x38: {  	s10 =	sld [smem:$0x3FBA]  }
0x39: {  	_ = 	snop;
	(pc) =	sbr.ind lr, $3  }
0x3a: {  	_ = 	snop  }
0x3b: {  	_ = 	snop  }
0x3c: {  	p2 =	seq.s32 s10, $0x1;
	s10 =	sld [smem:$0x3FB9]  }
0x3d: {  	_ =	shalt  }
0x3e: {  	_ =	shalt  }
0x3f: {  	_ =	shalt  }
0x40: {  	_ =	shalt  }
0x41: {  	_ =	shalt  }
0x42: {  	_ =	shalt  }
0x43: {  	_ =	shalt  }
0x44: {  	_ =	shalt  }
0x45: {  	_ =	shalt  }
0x46: {  	_ =	shalt  }
0x47: {  	_ =	shalt  }
0x48: {  	_ =	shalt  }
0x49: {  	_ =	shalt  }
0x4a: {  	_ =	shalt  }
0x4b: {  	_ =	shalt  }
0x4c: {  	_ =	shalt  }
0x4d: {  	_ =	shalt  }
0x4e: {  	_ =	shalt  }
0x4f: {  	_ =	shalt  }
0x50: {  	_ =	shalt  }
0x51: {  	_ =	shalt  }
0x52: {  	_ =	shalt  }
0x53: {  	_ =	shalt  }
0x54: {  	_ =	shalt  }
0x55: {  	_ =	shalt  }
0x56: {  	_ =	shalt  }
0x57: {  	_ =	shalt  }
0x58: {  	_ =	shalt  }
0x59: {  	_ =	shalt  }
0x5a: {  	_ =	shalt  }
0x5b: {  	_ =	shalt  }
0x5c: {  	_ =	shalt  }
0x5d: {  	_ =	shalt  }
0x5e: {  	_ =	shalt  }
0x5f: {  	_ =	shalt  }
0x60: {  	_ =	shalt  }
0x61: {  	_ =	shalt  }
0x62: {  	_ =	shalt  }
0x63: {  	_ =	shalt  }
0x64: {  	_ =	shalt  }
0x65: {  	_ =	shalt  }
0x66: {  	_ =	shalt  }
0x67: {  	_ =	shalt  }
0x68: {  	_ =	shalt  }
0x69: {  	_ =	shalt  }
0x6a: {  	_ =	shalt  }
0x6b: {  	_ =	shalt  }
0x6c: {  	_ =	shalt  }
0x6d: {  	_ =	shalt  }
0x6e: {  	_ =	shalt  }
0x6f: {  	_ =	shalt  }
0x70: {  	_ =	shalt  }
0x71: {  	_ =	shalt  }
0x72: {  	_ =	shalt  }
0x73: {  	_ =	shalt  }
0x74: {  	_ =	shalt  }
0x75: {  	_ =	shalt  }
0x76: {  	_ =	shalt  }
0x77: {  	_ =	shalt  }
0x78: {  	_ =	shalt  }
0x79: {  	_ =	shalt  }
0x7a: {  	_ =	shalt  }
0x7b: {  	_ =	shalt  }
0x7c: {  	_ =	shalt  }
0x7d: {  	_ =	shalt  }
0x7e: {  	_ =	shalt  }
0x7f: {  	_ =	shalt  }
0x80: {  	_ =	shalt  }
0x81: {  	_ =	shalt  }
0x82: {  	_ =	shalt  }
0x83: {  	_ =	shalt  }
0x84: {  	_ =	shalt  }
0x85: {  	_ =	shalt  }
0x86: {  	_ =	shalt  }
0x87: {  	_ =	shalt  }
.Lfunc_end0:
.L_simem_size_0:
called_computation_lowered:
.L_overlay_start_0:
0x88: {  	s2 =	sld [smem:$0x3FD9]  }
0x89: {  	s3 =	sld [smem:$0x3FFE];
	_ =	sdelay $0x1  }
0x8a: {  	s1 =	srdreg.scid  }
0x8b: {  	s0 =	sand.u32 $0x1, s1  }
0x8c: {  	s14 =	sshll.u32 s0, $0xA;
	s2 =	sadd.s32 s3, s2  }
0x8d: {  	s2 =	sadd.s32 s2, s14  }
0x8e: {  	[smem:$0x3FC5] =	sst s2  }
0x8f: {  	_ = 	snop  }
0x90: {  	s2 =	sld [smem:$0x3FD0];
	_ =	sdelay $0x2  }
0x91: {  	s15 =	simm.s32 $0xA;
	s4 =	simm.s32 $0x10  }
0x92: {  	[smem:s4], [sflag:s15] =	dma.local [hbm:s2], $0x1  }
0x93: {  	_ =	swait.eq [sflag:s15], $0x1  }
0x94: {  	[sflag:s15] =	ssyncset.done $0x0  }
0x95: {  	s16 =	sld [smem:$0x10];
	[sflag:s15] =	ssyncadd.s32 $0xFFFFFFFF  }
0x96: {  	s17 =	sld [smem:$0x11];
	(tm) =	ssettm $0x1  }
0x97: {  	s18 =	sld [smem:$0x3FFB];
	_ =	sdelay $0x3  }
0x98: {  	_ =	strace s18  }
0x99: {  	s4 =	sld [smem:$0x3FFC];
	_ =	sdelay $0x3  }
0x9a: {  	_ =	strace s4  }
0x9b: {  	s4 =	sld [smem:$0x3FFD];
	_ =	sdelay $0x3  }
0x9c: {  	_ =	strace s4  }
0x9d: {  	_ =	strace $0x8FFFFFFF  }
0x9e: {  	s19 =	sld [smem:$0x3FDB];
	_ =	sdelay $0x1  }
0x9f: {  	s5 =	simm.s32 $_scs_section_size  }
0xa0: {  	s6 =	simm.s32 $_size__tile_overlayer_lowered;
	s7 =	simm.s32 $_tile_overlayer_lowered  }
0xa1: {  	s22 =	simm.s32 $0x1BFF;
	s21 =	sshll.u32 s7, $0x1;
	s4 =	sadd.s32 s5, s19  }
0xa2: {  	s8 =	simm.s32 $0x0;
	s20 =	sshll.u32 s6, $0x1;
	s6 =	sadd.s32 s21, s4  }
0xa3: {  	[timem:s8], [sflag:s22] =	dma.local [hbm:s6], s20  }
0xa4: {  	_ =	swait.ge [sflag:s22], s20  }
0xa5: {  	s5 =	ssub.s32 $0x0, s20;
	[sflag:s22] =	ssyncset.done $0x0  }
0xa6: {  	[sflag:s22] =	ssyncadd.s32 s5;
	_ =	sdelay $0x1  }
0xa7: {  	s23 =	simm.s32 $0x1B8B  }
0xa8: {  	_ =	swait.ge [sflag:s23], $0x1  }
0xa9: {  	[sflag:s23] =	ssyncset.done $0x0  }
0xaa: {  	s25 =	simm.s32 $0x1B8E;
	s24 =	sld [smem:$0x3FFE];
	[sflag:s23] =	ssyncadd.s32 $0xFFFFFFFF  }
0xab: {  	s26 =	simm.s32 $execute0_lowered;
	[smem:$0x3FD2] =	sst s25  }
0xac: {  	s6 =	sshll.u32 s26, $0x1;
	_ =	strace $0x80000046;
	[dreg:$0x1] =	wrdreg $0xFFFFFFFF  }
0xad: {  	s28 =	simm.s32 $_size_execute0_lowered;
	s4 =	sadd.s32 s4, s6;
	[dreg:$0x0] =	wrdreg $0x0  }
0xae: {  	s6 =	sshll.u32 s28, $0x1;
	[dreg:$0x2] =	wrdreg s4  }
0xaf: {  	[dreg:$0x3] =	wrdreg s6  }
0xb0: {  	[dreg:$0x4] =	wrdreg $0xC0  }
0xb1: {  	_ =	task [dreg:s8], $0x5FFFF  }
0xb2: {  	[dreg:$0x1] =	wrdreg $0xFFFFFFFF  }
0xb3: {  	[dreg:$0x0] =	wrdreg $0x60  }
0xb4: {  	[dreg:$0x2] =	wrdreg s16  }
0xb5: {  	[dreg:$0x3] =	wrdreg s24  }
0xb6: {  	[dreg:$0x4] =	wrdreg s17  }
0xb7: {  	[dreg:$0x5] =	wrdreg $0x9  }
0xb8: {  	_ =	task.clear_ibuf [dreg:s8], $0x6FFFF;
	_ =	strace $0x90000046  }
0xb9: {  	s29 =	simm.s32 $0x9;
	_ =	strace $0x80000048  }
0xba: {  	_ =	swait.ge [sflag:s29], $0x1  }
0xbb: {  	[sflag:s29] =	ssyncadd.s32 $0xFFFFFFFF  }
0xbc: {  	_ =	strace $0x90000048  }
0xbd: {  	_ =	sfence  }
0xbe: {  	s30 =	sld [smem:$0x0];
	_ =	sdelay $0x2  }
0xbf: {  	s31 =	sshll.u32 s1, $0xD;
	s1 =	sshrl.u32 s1, $0x2  }
0xc0: {  	s3 =	sand.u32 $0x4000, s31;
	s1 =	sadd.s32 s1, s30  }
0xc1: {  	s0 =	sor.u32 s3, s0;
	s1 =	sshll.u32 s1, $0x11  }
0xc2: {  	s0 =	sor.u32 s1, s0  }
0xc3: {  	s0 =	sadd.s32 $0x8F2B, s0  }
0xc4: {  	[sflag:s0] =	ssyncadd.remote.s32 $0x1  }
0xc5: {  	_ =	sfence.sel $0xFFFF  }
0xc6: {  	[dreg:$0x0] =	wrdreg $0xFFFFFFFF;
	(pc) =	sbr.abs _section_cstart, $3  }
0xc7: {  	[dreg:$0x1] =	wrdreg $0xFFFFFFFF  }
0xc8: {  	_ =	task.clear_ibuf [dreg:s8], $0x2FFFF;
	_ =	strace $0x9FFFFFFF  }
0xc9: {  	(tm) =	ssettm $0x7FFFFFFF  }
tec
execute0_lowered:
.L_overlay_start_1:
0x0: {  	(tag) =	ssettag $0x1  }
0x1: {  	s3 =	rddreg [dreg:$0x0]  }
0x2: {  	s4 =	rddreg [dreg:$0x1]  }
0x3: {  	s5 =	rddreg [dreg:$0x2]  }
0x4: {  	s2 =	srdreg.scid;
	s1 =	stileid.u32  }
0x5: {  	s0 =	rddreg [dreg:$0x3];
	s6 =	sand.u32 $0x1, s2;
	s7 =	sshll.u32 s1, $0x1  }
0x6: {  	s10 =	simm.s32 $0x0;
	s2 =	simm.s32 $0x0;
	s7 =	sor.u32 s6, s7  }
0x7: {  	s6 =	ssub.s32 $0x2, s6;
	[smem:$0x7FF] =	sst s2;
	s8 =	sshll.u32 s7, $0xA  }
0x8: {  	s9 =	sshrl.u32 s6, $0x1;
	_ =	strace $0x80000047;
	s7 =	sshll.u32 s7, $0x8  }
0x9: {  	s4 =	sadd.s32 s8, s4;
	s6 =	ssub.s32 s6, s9;
	s3 =	sadd.s32 s3, s8  }
0xa: {  	s5 =	sadd.s32 s5, s7;
	s7 =	simm.s32 $0x1;
	s8 =	simm.s32 $0x2000  }
0xb: {  	v0 =	vimm.f32 $0.0e+00;
	v1 =	vlaneseq.u32;
	v2 =	vimm.s32 $0x0;
	s9 =	simm.s32 $0x4000;
	s4 =	sadd.s32 $0xC00, s4;
	s6 =	smax.u32 s6, $0x1  }
.LBB2_1:
0xc: {  	[tilespmem:s2], [sflag:$0x1] =	stream.linear.gather [hbm4b:s3+s2], $0x2000, $0x38;
	[tilespmem:$0x4800] =	vst v63  }
0xd: {  	_ =	swait.ge [sflag:s7], $0x2000  }
0xe: {  	[sflag:s7] =	ssyncset.done $0x0  }
0xf: {  	s11 =	simm.s32 $0x0;
	[sflag:s7] =	ssyncadd.s32 $0xFFFFE000  }
.LBB2_2:
0x10: {  	p0 =	sne.s32 s11, $0x7FC0  }
.Ltmp0:
0x11: {  	_ = 	snop;
	(pc) =	sbr.rel @p0 .LBB2_2-.Ltmp0, $3  }
0x12: {  	_ =	sdelay $0x1  }
0x13: {  	s12 =	sshra.s32 s11, $0x2  }
0x14: {  	s11 =	sadd.s32 $0x40, s11;
	[tilespmem:s12+$0x2000] =	vst v0  }
0x15: {  	s11 =	simm.s32 $0x0  }
0x16: {  	s12 =	sand.u32 $0x1C00, s11;
	s13 =	sand.u32 $0x70, s11  }
0x17: {  	s12 =	sor.u32 s13, s12  }
0x18: {  	v3 =	vld [tilespmem:s12+$0x0]  }
0x19: {  	v4 =	vld [tilespmem:s12+$0x80];
	_ =	sdelay $0x3  }
0x1a: {  	v5 =	vld [tilespmem:s12+$0x100]  }
0x1b: {  	vm0 =	vgt.f32 v4, v3  }
0x1c: {  	v6 =	vld [tilespmem:s12+$0x180];
	vm1 =	vmneg vm0  }
0x1d: {  	v7 =	vsel vm1, v4, v3  }
0x1e: {  	v8 =	vld [tilespmem:s12+$0x200];
	v3 =	vsel vm1, v3, v4;
	vm3 =	vlt.f32 v7, $-Inf;
	vm4 =	vgt.f32 v7, $-Inf  }
0x1f: {  	vm2 =	vgt.f32 v5, v3;
	vm3 =	vmor vm4, vm3  }
0x20: {  	v4 =	vld [tilespmem:s12+$0x280];
	v9 =	vsel vm2, v3, v5;
	v3 =	vsel vm2, v5, v3;
	v5 =	vnsel vm3, $0xFF800000, v7  }
0x21: {  	vm4 =	vgt.f32 v6, v3;
	vm5 =	vgt.f32 v9, v5  }
0x22: {  	s31 =	sor.u32 s11, s11;
	v7 =	vld [tilespmem:s12+$0x300];
	v10 =	vsel vm4, v3, v6;
	v3 =	vsel vm4, v6, v3;
	v5 =	vsel vm5, v9, v5  }
0x23: {  	s12 =	sor.u32 $0x380, s31;
	vm6 =	vgt.f32 v8, v3;
	vm7 =	vgt.f32 v10, v5  }
0x24: {  	v6 =	vld [tilespmem:s12+$0x0];
	v60 =	vsel vm6, v3, v8;
	v3 =	vsel vm6, v8, v3;
	v5 =	vsel vm7, v10, v5  }
0x25: {  	vm8 =	vgt.f32 v4, v3;
	vm10 =	vgt.f32 v60, v5  }
0x26: {  	v8 =	vsel vm8, v3, v4;
	v3 =	vsel vm8, v4, v3;
	v4 =	vsel vm10, v60, v5  }
0x27: {  	vm9 =	vgt.f32 v7, v3;
	vm12 =	vgt.f32 v8, v4  }
0x28: {  	v5 =	vsel vm9, v3, v7;
	v3 =	vsel vm9, v7, v3;
	v4 =	vsel vm12, v8, v4  }
0x29: {  	vm11 =	vgt.f32 v6, v3;
	vm13 =	vgt.f32 v5, v4  }
0x2a: {  	v7 =	vsel vm11, v3, v6;
	v4 =	vsel vm13, v5, v4  }
0x2b: {  	vm14 =	vgt.f32 v7, v4  }
0x2c: {  	v3 =	vsel vm11, v6, v3;
	v4 =	vsel vm14, v7, v4  }
0x2d: {  	v3 =	vsub.f32 v4, v3;
	_ =	sdelay $0x1  }
0x2e: {  	v3 =	vmul.f32 $1.442695020e+00, v3;
	_ =	sdelay $0x1  }
0x2f: {  	(erf) = vpow2.f32 v3;
	_ =	sdelay $0x8  }
0x30: {  	v5 =	vpop (erf)  }
0x31: {  	v6 =	vor.u32 s11, v1;
	v7 =	vsel vm1, $0x1, v2;
	v4 =	vadd.f32 $1.000000000e+00, v5  }
0x32: {  	v61 =	vshll.u32 v6, $0x3;
	v7 =	vnsel vm3, $0x8, v7;
	v3 =	vsel vm0, $0x1, v2  }
0x33: {  	v8 =	vsel vm2, $0x2, v3;
	v3 =	vnsel vm2, $0x2, v3;
	(erf) = vrcp.f32 v4  }
0x34: {  	v3 =	vsel vm5, v3, v7;
	v7 =	vnsel vm4, $0x3, v8;
	v4 =	vsel vm4, $0x3, v8  }
0x35: {  	v3 =	vsel vm7, v7, v3;
	v7 =	vnsel vm6, $0x4, v4;
	v4 =	vsel vm6, $0x4, v4  }
0x36: {  	v3 =	vsel vm10, v7, v3;
	v7 =	vnsel vm8, $0x5, v4;
	v4 =	vsel vm8, $0x5, v4  }
0x37: {  	v3 =	vsel vm12, v7, v3;
	v7 =	vnsel vm9, $0x6, v4;
	v4 =	vsel vm9, $0x6, v4  }
0x38: {  	v3 =	vsel vm13, v7, v3;
	v7 =	vnsel vm11, $0x7, v4;
	v4 =	vsel vm11, $0x7, v4  }
0x39: {  	v3 =	vsel vm14, v7, v3;
	v7 =	vadd.s32 v61, v4  }
0x3a: {  	v8 =	vadd.s32 v61, v3;
	_ =	sdelay $0x1  }
0x3b: {  	v6 =	vshll.u32 v6, $0x1;
	v62 =	vpop (erf)  }
0x3c: {  	v63 =	vmul.f32 v62, v5;
	v5 =	vor.u32 $0x1, v6  }
0x3d: {  	s17 =	simm.s32 $0x20;
	s12 =	simm.s32 $0x80;
	[tilespmem:v7+s8+$0x0] =	vst.idx.msk $0xffff, v62  }
0x3e: {  	s14 =	simm.s32 $0x100;
	s13 =	sand.u32 $0x1C00, s12;
	s11 =	simm.s32 $0x10;
	[tilespmem:v8+s8+$0x0] =	vst.idx.msk $0xffff, v63  }
.LBB2_4:
0x3f: {  	s18 =	sand.u32 $0x1C00, s14  }
0x40: {  	s19 =	sand.u32 $0x70, s11;
	[tilespmem:v6+s9+$0x0] =	vst.idx.msk $0xffff, v4;
	s16 =	smov.u32 s17;
	s15 =	sadd.s32 $0x10, s17  }
0x41: {  	p0 =	sne.s32 s17, $0x3F0;
	s17 =	sor.u32 s19, s13;
	[tilespmem:v5+s9+$0x0] =	vst.idx.msk $0xffff, v3;
	s13 =	smov.u32 s18  }
0x42: {  	v3 =	vld [tilespmem:s17+$0x0]  }
0x43: {  	v4 =	vld [tilespmem:s17+$0x80];
	_ =	sdelay $0x1  }
0x44: {  	v5 =	vld [tilespmem:s17+$0x100];
	_ =	sdelay $0x1  }
0x45: {  	v6 =	vld [tilespmem:s17+$0x180]  }
0x46: {  	vm0 =	vgt.f32 v4, v3  }
0x47: {  	vm2 =	vmneg vm0;
	v7 =	vld [tilespmem:s17+$0x200]  }
0x48: {  	v8 =	vsel vm2, v4, v3;
	v3 =	vsel vm2, v3, v4  }
0x49: {  	vm3 =	vlt.f32 v8, $-Inf;
	vm4 =	vgt.f32 v8, $-Inf;
	vm1 =	vgt.f32 v5, v3;
	v4 =	vld [tilespmem:s17+$0x280]  }
0x4a: {  	vm3 =	vmor vm4, vm3;
	v9 =	vsel vm1, v3, v5;
	v3 =	vsel vm1, v5, v3  }
0x4b: {  	v5 =	vnsel vm3, $0xFF800000, v8;
	vm4 =	vgt.f32 v6, v3;
	v8 =	vld [tilespmem:s17+$0x300];
	s17 =	sor.u32 s12, s11;
	s12 =	smov.u32 s14  }
0x4c: {  	vm5 =	vgt.f32 v9, v5;
	v10 =	vsel vm4, v3, v6;
	v3 =	vsel vm4, v6, v3;
	s17 =	sor.u32 $0x380, s17  }
0x4d: {  	v5 =	vsel vm5, v9, v5;
	vm6 =	vgt.f32 v7, v3;
	v6 =	vld [tilespmem:s17+$0x0]  }
0x4e: {  	vm8 =	vgt.f32 v10, v5;
	v9 =	vsel vm6, v3, v7;
	v3 =	vsel vm6, v7, v3  }
0x4f: {  	v5 =	vsel vm8, v10, v5;
	vm7 =	vgt.f32 v4, v3  }
0x50: {  	vm10 =	vgt.f32 v9, v5;
	v7 =	vsel vm7, v3, v4;
	v3 =	vsel vm7, v4, v3  }
0x51: {  	v4 =	vsel vm10, v9, v5;
	vm9 =	vgt.f32 v8, v3  }
0x52: {  	vm12 =	vgt.f32 v7, v4;
	v5 =	vsel vm9, v3, v8;
	v3 =	vsel vm9, v8, v3  }
0x53: {  	v4 =	vsel vm12, v7, v4;
	vm11 =	vgt.f32 v6, v3  }
0x54: {  	vm13 =	vgt.f32 v5, v4;
	v7 =	vsel vm11, v3, v6;
	v3 =	vsel vm11, v6, v3  }
0x55: {  	v4 =	vsel vm13, v5, v4  }
0x56: {  	vm14 =	vgt.f32 v7, v4  }
0x57: {  	v4 =	vsel vm14, v7, v4  }
0x58: {  	v3 =	vsub.f32 v4, v3;
	_ =	sdelay $0x1  }
0x59: {  	v3 =	vmul.f32 $1.442695020e+00, v3;
	_ =	sdelay $0x1  }
0x5a: {  	(erf) = vpow2.f32 v3;
	_ =	sdelay $0x8  }
0x5b: {  	v5 =	vor.u32 s11, v1;
	s11 =	smov.u32 s16;
	v4 =	vsel vm0, $0x1, v2;
	v3 =	vsel vm2, $0x1, v2;
	v7 =	vpop (erf)  }
0x5c: {  	v9 =	vshll.u32 v5, $0x3;
	v6 =	vsel vm1, $0x2, v4;
	v8 =	vadd.f32 $1.000000000e+00, v7  }
0x5d: {  	v4 =	vnsel vm1, $0x2, v4;
	v10 =	vsel vm4, $0x3, v6;
	v3 =	vnsel vm3, $0x8, v3  }
0x5e: {  	v3 =	vsel vm5, v4, v3;
	v4 =	vnsel vm4, $0x3, v6;
	(erf) = vrcp.f32 v8  }
0x5f: {  	v6 =	vsel vm6, $0x4, v10;
	v3 =	vsel vm8, v4, v3;
	v4 =	vnsel vm6, $0x4, v10  }
0x60: {  	v3 =	vsel vm10, v4, v3;
	v4 =	vnsel vm7, $0x5, v6;
	v6 =	vsel vm7, $0x5, v6  }
0x61: {  	v3 =	vsel vm12, v4, v3;
	v4 =	vnsel vm9, $0x6, v6;
	v6 =	vsel vm9, $0x6, v6  }
0x62: {  	v3 =	vsel vm13, v4, v3;
	v4 =	vsel vm11, $0x7, v6;
	v8 =	vnsel vm11, $0x7, v6  }
0x63: {  	v3 =	vsel vm14, v8, v3;
	v8 =	vadd.s32 v9, v4  }
0x64: {  	v9 =	vadd.s32 v9, v3  }
0x65: {  	v6 =	vshll.u32 v5, $0x1  }
.Ltmp1:
0x66: {  	v5 =	vor.u32 $0x1, v6;
	(pc) =	sbr.rel @p0 .LBB2_4-.Ltmp1, $3  }
0x67: {  	v10 =	vpop (erf)  }
0x68: {  	v7 =	vmul.f32 v10, v7;
	[tilespmem:v8+s8+$0x0] =	vst.idx.msk $0xffff, v10;
	_ =	sdelay $0x1  }
0x69: {  	s14 =	sadd.s32 $0x80, s14;
	s17 =	smov.u32 s15;
	[tilespmem:v9+s8+$0x0] =	vst.idx.msk $0xffff, v7  }
0x6a: {  	_ =	sdelay $0x3  }
0x6b: {  	s14 =	sand.u32 $0x70, s11;
	[tilespmem:v6+s9+$0x0] =	vst.idx.msk $0xffff, v4  }
0x6c: {  	s13 =	sor.u32 s14, s13;
	[tilespmem:v5+s9+$0x0] =	vst.idx.msk $0xffff, v3  }
0x6d: {  	v3 =	vld [tilespmem:s13+$0x0]  }
0x6e: {  	v4 =	vld [tilespmem:s13+$0x80];
	_ =	sdelay $0x3  }
0x6f: {  	v5 =	vld [tilespmem:s13+$0x100]  }
0x70: {  	vm0 =	vgt.f32 v4, v3  }
0x71: {  	v6 =	vld [tilespmem:s13+$0x180];
	vm1 =	vmneg vm0  }
0x72: {  	v7 =	vsel vm1, v4, v3  }
0x73: {  	v8 =	vld [tilespmem:s13+$0x200];
	v3 =	vsel vm1, v3, v4;
	vm3 =	vlt.f32 v7, $-Inf;
	vm4 =	vgt.f32 v7, $-Inf  }
0x74: {  	vm2 =	vgt.f32 v5, v3;
	vm3 =	vmor vm4, vm3  }
0x75: {  	v41 =	vld [tilespmem:s13+$0x280];
	v9 =	vsel vm2, v3, v5;
	v3 =	vsel vm2, v5, v3;
	v42 =	vnsel vm3, $0xFF800000, v7  }
0x76: {  	vm4 =	vgt.f32 v6, v3;
	vm5 =	vgt.f32 v9, v42  }
0x77: {  	s12 =	sor.u32 s12, s11;
	v43 =	vld [tilespmem:s13+$0x300];
	v10 =	vsel vm4, v3, v6;
	v3 =	vsel vm4, v6, v3;
	v5 =	vsel vm5, v9, v42  }
0x78: {  	s12 =	sor.u32 $0x380, s12;
	vm6 =	vgt.f32 v8, v3;
	vm7 =	vgt.f32 v10, v5  }
0x79: {  	v44 =	vld [tilespmem:s12+$0x0];
	v45 =	vsel vm6, v3, v8;
	v3 =	vsel vm6, v8, v3;
	v5 =	vsel vm7, v10, v5  }
0x7a: {  	vm8 =	vgt.f32 v41, v3;
	vm10 =	vgt.f32 v45, v5  }
0x7b: {  	v8 =	vsel vm8, v3, v41;
	v3 =	vsel vm8, v41, v3;
	v46 =	vsel vm10, v45, v5  }
0x7c: {  	vm9 =	vgt.f32 v43, v3;
	vm12 =	vgt.f32 v8, v46  }
0x7d: {  	v47 =	vsel vm9, v3, v43;
	v3 =	vsel vm9, v43, v3;
	v4 =	vsel vm12, v8, v46  }
0x7e: {  	vm11 =	vgt.f32 v44, v3;
	vm13 =	vgt.f32 v47, v4  }
0x7f: {  	v7 =	vsel vm11, v3, v44;
	v4 =	vsel vm13, v47, v4  }
0x80: {  	vm14 =	vgt.f32 v7, v4  }
0x81: {  	v3 =	vsel vm11, v44, v3;
	v4 =	vsel vm14, v7, v4  }
0x82: {  	v3 =	vsub.f32 v4, v3;
	_ =	sdelay $0x1  }
0x83: {  	v3 =	vmul.f32 $1.442695020e+00, v3;
	_ =	sdelay $0x1  }
0x84: {  	(erf) = vpow2.f32 v3;
	_ =	sdelay $0x8  }
0x85: {  	v3 =	vpop (erf)  }
0x86: {  	v48 =	vor.u32 s11, v1;
	v49 =	vsel vm0, $0x1, v2;
	v50 =	vadd.f32 $1.000000000e+00, v3  }
0x87: {  	v53 =	vshll.u32 v48, $0x3;
	v51 =	vsel vm1, $0x1, v2;
	v52 =	vsel vm2, $0x2, v49  }
0x88: {  	v5 =	vnsel vm2, $0x2, v49;
	v7 =	vnsel vm3, $0x8, v51;
	(erf) = vrcp.f32 v50  }
0x89: {  	v54 =	vsel vm4, $0x3, v52;
	v55 =	vnsel vm4, $0x3, v52;
	v5 =	vsel vm5, v5, v7  }
0x8a: {  	v56 =	vnsel vm6, $0x4, v54;
	v6 =	vsel vm6, $0x4, v54;
	v5 =	vsel vm7, v55, v5  }
0x8b: {  	v57 =	vnsel vm8, $0x5, v6;
	v6 =	vsel vm8, $0x5, v6;
	v5 =	vsel vm10, v56, v5  }
0x8c: {  	v58 =	vnsel vm9, $0x6, v6;
	v6 =	vsel vm9, $0x6, v6;
	v5 =	vsel vm12, v57, v5  }
0x8d: {  	v59 =	vnsel vm11, $0x7, v6;
	v6 =	vsel vm11, $0x7, v6;
	v5 =	vsel vm13, v58, v5  }
0x8e: {  	v60 =	vadd.s32 v53, v6;
	v5 =	vsel vm14, v59, v5  }
0x8f: {  	v61 =	vadd.s32 v53, v5  }
0x90: {  	v4 =	vshll.u32 v48, $0x1  }
0x91: {  	v62 =	vor.u32 $0x1, v4;
	v63 =	vpop (erf)  }
0x92: {  	v3 =	vmul.f32 v63, v3  }
0x93: {  	[tilespmem:v60+s8+$0x0] =	vst.idx.msk $0xffff, v63  }
0x94: {  	[tilespmem:v61+s8+$0x0] =	vst.idx.msk $0xffff, v3  }
0x95: {  	[tilespmem:v4+s9+$0x0] =	vst.idx.msk $0xffff, v6  }
0x96: {  	[tilespmem:v62+s9+$0x0] =	vst.idx.msk $0xffff, v5  }
0x97: {  	[hbm4b:s4+s2] =	stream.linear.scatter [tilespmem:s8], [sflag:$0x1], $0x2000, $0x38;
	[tilespmem:$0x4800] =	vst v63  }
0x98: {  	s10 =	sadd.s32 $0x1, s10;
	_ =	swait.ge [sflag:s7], $0x2000  }
0x99: {  	p0 =	sne.s32 s10, s6;
	[sflag:s7] =	ssyncset.done $0x0  }
.Ltmp2:
0x9a: {  	[sflag:s7] =	ssyncadd.s32 $0xFFFFE000;
	(pc) =	sbr.rel @p0 .LBB2_1-.Ltmp2, $4  }
0x9b: {  	[hbm4b:s5+s2] =	stream.linear.scatter [tilespmem:s9], [sflag:$0x1], $0x800, $0x38;
	[tilespmem:$0x4800] =	vst v63  }
0x9c: {  	_ =	swait.ge [sflag:s7], $0x800  }
0x9d: {  	[sflag:s7] =	ssyncset.done $0x0  }
0x9e: {  	[sflag:s7] =	ssyncadd.s32 $0xFFFFF800  }
0x9f: {  	_ =	sfence.sel $0x180000  }
0xa0: {  	[bflag:$0x0] =	sbarrier.arrive $0xFFFF  }
0xa1: {  	p0 =	sne.s32 s1, $0x0;
	_ =	strace $0x90000047  }
0xa2: {  	s0 =	sadd.s32 @!p0 $0x100000, s0;
	[bflag:$0x2] =	sbarrier.arrive $0xFFFF  }
0xa3: {  	[sflag:s0] =	ssyncadd.tile.s32 @!p0 $0x1;
	_ =	shalt  }
.Lfunc_end2:
_tile_overlayer_lowered:
.L_overlay_start_2:
0xa4: {  	(tag) =	ssettag $0x2  }
0xa5: {  	s0 =	rddreg [dreg:$0x0];
	s2 =	stileid.u32  }
0xa6: {  	s1 =	rddreg [dreg:$0x1];
	p0 =	sne.s32 s2, $0x0  }
0xa7: {  	s3 =	rddreg [dreg:$0x2];
	[bflag:$0x3] =	sbarrier.arrive $0xFFFF;
	s2 =	simm.s32 @!p0 $0x1C01  }
0xa8: {  	[timem:s3], [sflag:s2] =	dma.local @!p0 [hbm:s0], s1  }
0xa9: {  	s0 =	simm.s32 @!p0 $0x1  }
0xaa: {  	_ =	swait.ge @!p0 [sflag:s0], s1  }
0xab: {  	s1 =	ssub.s32 @!p0 $0x0, s1;
	[sflag:s0] =	ssyncset.done @!p0 $0x0  }
0xac: {  	[sflag:s0] =	ssyncadd.s32 @!p0 s1  }
0xad: {  	[bflag:$0x3] =	sbarrier.arrive $0xFFFF  }
0xae: {  	_ =	shalt  }

</sc_bundles>
